<compile_context>
chip_gen: v7x
topology: tpu7x:2x2x1
jax: 0.10.2.dev20260603
libtpu: 0.0.44.dev20260713+nightly
codegen_flags: <defaults>
</compile_context>

<pallas_src>
import functools

import jax
import jax.numpy as jnp
from jax import lax
from jax.experimental import pallas as pl
from jax.experimental.pallas import tpu as pltpu
from jax.experimental.pallas import tpu_sc as plsc

_NC, _NS = 2, 16
_NW = _NC * _NS
_AC = 200
_NACH = 5000
_BB = 128
_HG = (13, 13, 13, 11)
_H0 = (0, 13, 26, 39)


def _body(b, h, v, d, x_hbm, table_hbm, out_hbm, tblc,
          ring0, ring1, xv, ilist, out_t,
          rs0, rs1, ws0, ws1, gs0, gs1, xs, os):
    wid = lax.axis_index("s") * _NC + lax.axis_index("c")
    core = lax.axis_index("c")

    def a_pair(j, carry):
        c0 = wid + _NW * (2 * j)
        c1 = wid + _NW * (2 * j + 1)
        r0 = ring0.at[pl.ds(0, _AC)]
        r1 = ring1.at[pl.ds(0, _AC)]
        dst0 = tblc.at[core, pl.ds(c0 * _AC, _AC)]
        dst1 = tblc.at[core, pl.ds(c1 * _AC, _AC)]

        @pl.when(j > 0)
        def _():
            pltpu.make_async_copy(r0, dst0, ws0).wait()

        @pl.when(j > 0)
        def _():
            pltpu.make_async_copy(r1, dst1, ws1).wait()

        rd0 = pltpu.async_copy(table_hbm.at[pl.ds(c0 * _AC, _AC)], r0, rs0)
        rd1 = pltpu.async_copy(table_hbm.at[pl.ds(c1 * _AC, _AC)], r1, rs1)
        rd0.wait()
        pltpu.async_copy(r0, dst0, ws0)
        rd1.wait()
        pltpu.async_copy(r1, dst1, ws1)
        return carry

    lax.fori_loop(0, 78, a_pair, 0)
    pltpu.make_async_copy(ring0.at[pl.ds(0, _AC)],
                          tblc.at[core, pl.ds(0, _AC)], ws0).wait()
    pltpu.make_async_copy(ring1.at[pl.ds(0, _AC)],
                          tblc.at[core, pl.ds(0, _AC)], ws1).wait()

    @pl.when(wid < _NACH - 32 * 156)
    def _():
        ce = wid + _NW * 156
        pltpu.sync_copy(table_hbm.at[pl.ds(ce * _AC, _AC)],
                        ring0.at[pl.ds(0, _AC)])
        pltpu.sync_copy(ring0.at[pl.ds(0, _AC)],
                        tblc.at[core, pl.ds(ce * _AC, _AC)])

    plsc.subcore_barrier()

    tbl = tblc.at[core]
    iota = lax.iota(jnp.int32, 16)
    base_b = wid * (b // _NW)

    def b_block(blk, carry):
        babs = base_b + blk * _BB
        pltpu.async_copy(x_hbm.at[pl.ds(babs, _BB)], xv, xs).wait()

        for g in range(4):
            hgs = _HG[g]
            h0 = _H0[g]
            csz = 16 * hgs
            nil = _BB * hgs

            if g < 3:
                def rp(r, carry2):
                    vals = xv[r, pl.ds(h0, 16)]
                    ilist[pl.ds(r * hgs, 16)] = vals
                    return carry2
            else:
                mk = iota >= 5

                def rp(r, carry2):
                    vals = xv[r, pl.ds(34, 16)]
                    plsc.store_scatter(ilist, [r * hgs - 5 + iota], vals,
                                       mask=mk)
                    return carry2
            lax.fori_loop(0, _BB, rp, 0)

            def tpose(ring, c2):
                def tp(bl2, carry3):
                    bloc = jnp.full((16,), c2 * 16 + bl2,
                                    jnp.int32)
                    for h_l in range(hgs):
                        row = bl2 * hgs + h_l
                        hvec = jnp.full((16,), h_l, jnp.int32)
                        v0 = ring[row, pl.ds(0, 16)]
                        v1 = ring[row, pl.ds(16, 16)]
                        plsc.store_scatter(out_t, [hvec, iota, bloc], v0)
                        plsc.store_scatter(out_t, [hvec, iota + 16, bloc],
                                           v1)
                    return carry3
                lax.fori_loop(0, 16, tp, 0)

            def g_pair(t, carry2):
                c0 = 2 * t
                c1 = 2 * t + 1
                gd0 = pltpu.async_copy(
                    tbl.at[ilist.at[pl.ds(c0 * csz, csz)]],
                    ring0.at[pl.ds(0, csz)], gs0)
                gd1 = pltpu.async_copy(
                    tbl.at[ilist.at[pl.ds(c1 * csz, csz)]],
                    ring1.at[pl.ds(0, csz)], gs1)
                gd0.wait()
                tpose(ring0, c0)
                gd1.wait()
                tpose(ring1, c1)
                return carry2

            lax.fori_loop(0, 4, g_pair, 0)

            pltpu.async_copy(
                out_t.at[pl.ds(0, hgs)],
                out_hbm.at[pl.ds(h0, hgs), :, pl.ds(babs, _BB)], os).wait()
        return carry

    lax.fori_loop(0, 0, b_block, 0)


def kernel(x, table):
    b, h = x.shape
    v, d = table.shape
    n = b * h

    mesh = plsc.VectorSubcoreMesh(core_axis_name="c", subcore_axis_name="s")

    run = functools.partial(
        pl.kernel,
        mesh=mesh,
        out_type=jax.ShapeDtypeStruct((h, d, b), jnp.float32),
        scratch_types=[
            pltpu.HBM((_NC, v, d), jnp.float32),
            pltpu.VMEM((16 * 13, d), jnp.float32),
            pltpu.VMEM((16 * 13, d), jnp.float32),
            pltpu.VMEM((_BB, h), jnp.int32),
            pltpu.VMEM((1680,), jnp.int32),
            pltpu.VMEM((13, d, _BB), jnp.float32),
            pltpu.SemaphoreType.DMA,
            pltpu.SemaphoreType.DMA,
            pltpu.SemaphoreType.DMA,
            pltpu.SemaphoreType.DMA,
            pltpu.SemaphoreType.DMA,
            pltpu.SemaphoreType.DMA,
            pltpu.SemaphoreType.DMA,
            pltpu.SemaphoreType.DMA,
        ],
        compiler_params=pltpu.CompilerParams(use_tc_tiling_on_sc=True, needs_layout_passes=False),
    )(functools.partial(_body, b, h, v, d))

    out = run(x, table)
    return jnp.transpose(out, (2, 0, 1))

# --- scband reference (transcript-rebuilt; emitter-appended) ---
"""Pipeline reference for scband-atomic-embedding-55585466745323 (READ-ONLY COPY).

The authoritative reference and input builder live on the scoring server;
editing this copy changes nothing except your own understanding.
"""

import jax, jax.numpy as jnp
import numpy as np

NUM_NODE_FEA = 1000000
NODE_DIM = 32
BATCH = 16384
HIST = 50

def setup_inputs(seed: int = 0) -> dict:
    key = jax.random.key(seed)
    k1, k2 = jax.random.split(key)
    x = jax.random.randint(k1, (BATCH, HIST), 0, NUM_NODE_FEA, dtype=jnp.int64 if jax.config.jax_enable_x64 else jnp.int32).astype(jnp.int32)
    table = jax.random.normal(k2, (NUM_NODE_FEA, NODE_DIM), dtype=jnp.float32)
    return {"x": x, "table": table}

def reference(x, table):
    # AtomicEmbedding.forward with norm=False: embedding lookup + Identity
    embed = jnp.take(table, x, axis=0)
    return embed

if __name__ == "__main__":
    import jax
    _d = setup_inputs()
    print(jax.jit(kernel)(*tuple(_d.values())))

</pallas_src>

<mosaic_0001>
#map = affine_map<(d0, d1) -> (0, 0)>
#map1 = affine_map<(d0, d1) -> (0, 0, 0)>
module attributes {stable_mosaic.version = 14 : i64} {
  func.func @_body(%arg0: i32, %arg1: i32, %arg2: memref<16384x50xi32, #tpu.memory_space<hbm>>, %arg3: memref<1000000x32xf32, #tpu.memory_space<hbm>>, %arg4: memref<50x32x16384xf32, #tpu.memory_space<hbm>>, %arg5: memref<2x1000000x32xf32, #tpu.memory_space<hbm>>, %arg6: memref<208x32xf32, #tpu.memory_space<vmem>>, %arg7: memref<208x32xf32, #tpu.memory_space<vmem>>, %arg8: memref<128x50xi32, #tpu.memory_space<vmem>>, %arg9: memref<1680xi32, #tpu.memory_space<vmem>>, %arg10: memref<13x32x128xf32, #tpu.memory_space<vmem>>, %arg11: memref<!tpu.dma_semaphore, #tpu.memory_space<semaphore_mem>>, %arg12: memref<!tpu.dma_semaphore, #tpu.memory_space<semaphore_mem>>, %arg13: memref<!tpu.dma_semaphore, #tpu.memory_space<semaphore_mem>>, %arg14: memref<!tpu.dma_semaphore, #tpu.memory_space<semaphore_mem>>, %arg15: memref<!tpu.dma_semaphore, #tpu.memory_space<semaphore_mem>>, %arg16: memref<!tpu.dma_semaphore, #tpu.memory_space<semaphore_mem>>, %arg17: memref<!tpu.dma_semaphore, #tpu.memory_space<semaphore_mem>>, %arg18: memref<!tpu.dma_semaphore, #tpu.memory_space<semaphore_mem>>) attributes {dimension_semantics = [#tpu.dimension_semantics<core_parallel>, #tpu.dimension_semantics<subcore_parallel>], iteration_bounds = array<i64: 2, 16>, scalar_prefetch = 0 : i64, scratch_operands = 14 : i64, tpu.core_type = #tpu.core_type<sc_vector_subcore>, window_params = [{transform_indices = #map}, {transform_indices = #map}, {transform_indices = #map1}]} {
    %mul3A = arith.constant 2 : i32
    %mul3A_0 = arith.muli %arg1, %mul3A : i32
    %add3A = arith.addi %mul3A_0, %arg0 : i32
    %scan3A = arith.constant 0 : i32
    %scan3A_1 = arith.constant 0 : i32
    %scan3A_2 = arith.constant 78 : i32
    %scan3A_3 = arith.addi %scan3A_1, %scan3A_2 : i32
    %scan3A_4 = arith.constant 1 : i32
    scf.for %scan3A_42 = %scan3A_1 to %scan3A_3 step %scan3A_4  : i32 {
      %mul3A_43 = arith.constant 2 : i32
      %mul3A_44 = arith.muli %mul3A_43, %scan3A_42 : i32
      %mul3A_45 = arith.constant 32 : i32
      %mul3A_46 = arith.muli %mul3A_45, %mul3A_44 : i32
      %add3A_47 = arith.addi %add3A, %mul3A_46 : i32
      %mul3A_48 = arith.constant 2 : i32
      %mul3A_49 = arith.muli %mul3A_48, %scan3A_42 : i32
      %add3A_50 = arith.constant 1 : i32
      %add3A_51 = arith.addi %mul3A_49, %add3A_50 : i32
      %mul3A_52 = arith.constant 32 : i32
      %mul3A_53 = arith.muli %mul3A_52, %add3A_51 : i32
      %add3A_54 = arith.addi %add3A, %mul3A_53 : i32
      %mul3A_55 = arith.constant 200 : i32
      %mul3A_56 = arith.muli %add3A_47, %mul3A_55 : i32
      %mul3A_57 = arith.constant 200 : i32
      %mul3A_58 = arith.muli %add3A_54, %mul3A_57 : i32
      %gt3A = arith.constant 0 : i32
      %gt3A_59 = arith.cmpi sgt, %scan3A_42, %gt3A : i32
      %convert_element_type3A_60 = arith.extui %gt3A_59 : i1 to i32
      %cond3A_61 = arith.constant 0 : i32
      %cond3A_62 = arith.cmpi ne, %convert_element_type3A_60, %cond3A_61 : i32
      scf.if %cond3A_62 {
        %dma_wait3A_135 = arith.constant 0 : i32
        %dma_wait3A_136 = arith.constant 0 : i32
        %dma_wait3A_137 = tpu.memref_slice %arg6[%dma_wait3A_135, %dma_wait3A_136] : memref<208x32xf32, #tpu.memory_space<vmem>> -> memref<200x32xf32, #tpu.memory_space<vmem>>
        %dma_wait3A_138 = arith.constant 0 : i32
        %dma_wait3A_139 = tpu.memref_slice %arg5[%arg0, %mul3A_56, %dma_wait3A_138] : memref<2x1000000x32xf32, #tpu.memory_space<hbm>> -> memref<1x200x32xf32, #tpu.memory_space<hbm>>
        %dma_wait3A_140 = tpu.memref_squeeze %dma_wait3A_139 : memref<1x200x32xf32, #tpu.memory_space<hbm>> -> memref<200x32xf32, #tpu.memory_space<hbm>>
        %dma_wait3A_141 = arith.constant 0 : i32
        %dma_wait3A_142 = tpu.memref_slice %arg5[%arg0, %mul3A_56, %dma_wait3A_141] : memref<2x1000000x32xf32, #tpu.memory_space<hbm>> -> memref<1x200x32xf32, #tpu.memory_space<hbm>>
        %dma_wait3A_143 = tpu.memref_squeeze %dma_wait3A_142 : memref<1x200x32xf32, #tpu.memory_space<hbm>> -> memref<200x32xf32, #tpu.memory_space<hbm>>
        %dma_wait3A_144 = arith.constant 0 : i32
        %dma_wait3A_145 = arith.constant 0 : i32
        %dma_wait3A_146 = tpu.memref_slice %arg6[%dma_wait3A_144, %dma_wait3A_145] : memref<208x32xf32, #tpu.memory_space<vmem>> -> memref<200x32xf32, #tpu.memory_space<vmem>>
        tpu.wait_dma2 semaphore(%arg13 : memref<!tpu.dma_semaphore, #tpu.memory_space<semaphore_mem>>) src(%dma_wait3A_146 : memref<200x32xf32, #tpu.memory_space<vmem>>) dst(%dma_wait3A_143 : memref<200x32xf32, #tpu.memory_space<hbm>>)
      } else {
      }
      %gt3A_63 = arith.constant 0 : i32
      %gt3A_64 = arith.cmpi sgt, %scan3A_42, %gt3A_63 : i32
      %convert_element_type3A_65 = arith.extui %gt3A_64 : i1 to i32
      %cond3A_66 = arith.constant 0 : i32
      %cond3A_67 = arith.cmpi ne, %convert_element_type3A_65, %cond3A_66 : i32
      scf.if %cond3A_67 {
        %dma_wait3A_135 = arith.constant 0 : i32
        %dma_wait3A_136 = arith.constant 0 : i32
        %dma_wait3A_137 = tpu.memref_slice %arg7[%dma_wait3A_135, %dma_wait3A_136] : memref<208x32xf32, #tpu.memory_space<vmem>> -> memref<200x32xf32, #tpu.memory_space<vmem>>
        %dma_wait3A_138 = arith.constant 0 : i32
        %dma_wait3A_139 = tpu.memref_slice %arg5[%arg0, %mul3A_58, %dma_wait3A_138] : memref<2x1000000x32xf32, #tpu.memory_space<hbm>> -> memref<1x200x32xf32, #tpu.memory_space<hbm>>
        %dma_wait3A_140 = tpu.memref_squeeze %dma_wait3A_139 : memref<1x200x32xf32, #tpu.memory_space<hbm>> -> memref<200x32xf32, #tpu.memory_space<hbm>>
        %dma_wait3A_141 = arith.constant 0 : i32
        %dma_wait3A_142 = tpu.memref_slice %arg5[%arg0, %mul3A_58, %dma_wait3A_141] : memref<2x1000000x32xf32, #tpu.memory_space<hbm>> -> memref<1x200x32xf32, #tpu.memory_space<hbm>>
        %dma_wait3A_143 = tpu.memref_squeeze %dma_wait3A_142 : memref<1x200x32xf32, #tpu.memory_space<hbm>> -> memref<200x32xf32, #tpu.memory_space<hbm>>
        %dma_wait3A_144 = arith.constant 0 : i32
        %dma_wait3A_145 = arith.constant 0 : i32
        %dma_wait3A_146 = tpu.memref_slice %arg7[%dma_wait3A_144, %dma_wait3A_145] : memref<208x32xf32, #tpu.memory_space<vmem>> -> memref<200x32xf32, #tpu.memory_space<vmem>>
        tpu.wait_dma2 semaphore(%arg14 : memref<!tpu.dma_semaphore, #tpu.memory_space<semaphore_mem>>) src(%dma_wait3A_146 : memref<200x32xf32, #tpu.memory_space<vmem>>) dst(%dma_wait3A_143 : memref<200x32xf32, #tpu.memory_space<hbm>>)
      } else {
      }
      %mul3A_68 = arith.constant 200 : i32
      %mul3A_69 = arith.muli %add3A_47, %mul3A_68 : i32
      %dma_start3A = arith.constant 0 : i32
      %dma_start3A_70 = arith.constant 0 : i32
      %dma_start3A_71 = tpu.memref_slice %arg6[%dma_start3A, %dma_start3A_70] : memref<208x32xf32, #tpu.memory_space<vmem>> -> memref<200x32xf32, #tpu.memory_space<vmem>>
      %dma_start3A_72 = arith.constant 0 : i32
      %dma_start3A_73 = tpu.memref_slice %arg3[%mul3A_69, %dma_start3A_72] : memref<1000000x32xf32, #tpu.memory_space<hbm>> -> memref<200x32xf32, #tpu.memory_space<hbm>>
      %dma_start3A_74 = arith.constant 0 : i32
      %dma_start3A_75 = arith.constant 0 : i32
      %dma_start3A_76 = tpu.memref_slice %arg6[%dma_start3A_74, %dma_start3A_75] : memref<208x32xf32, #tpu.memory_space<vmem>> -> memref<200x32xf32, #tpu.memory_space<vmem>>
      %dma_start3A_77 = arith.constant 0 : i32
      %dma_start3A_78 = tpu.memref_slice %arg3[%mul3A_69, %dma_start3A_77] : memref<1000000x32xf32, #tpu.memory_space<hbm>> -> memref<200x32xf32, #tpu.memory_space<hbm>>
      tpu.enqueue_dma source(%dma_start3A_78 : memref<200x32xf32, #tpu.memory_space<hbm>>) target(%dma_start3A_76 : memref<200x32xf32, #tpu.memory_space<vmem>>) target_semaphore(%arg11 : memref<!tpu.dma_semaphore, #tpu.memory_space<semaphore_mem>>)
      %mul3A_79 = arith.constant 200 : i32
      %mul3A_80 = arith.muli %add3A_54, %mul3A_79 : i32
      %dma_start3A_81 = arith.constant 0 : i32
      %dma_start3A_82 = arith.constant 0 : i32
      %dma_start3A_83 = tpu.memref_slice %arg7[%dma_start3A_81, %dma_start3A_82] : memref<208x32xf32, #tpu.memory_space<vmem>> -> memref<200x32xf32, #tpu.memory_space<vmem>>
      %dma_start3A_84 = arith.constant 0 : i32
      %dma_start3A_85 = tpu.memref_slice %arg3[%mul3A_80, %dma_start3A_84] : memref<1000000x32xf32, #tpu.memory_space<hbm>> -> memref<200x32xf32, #tpu.memory_space<hbm>>
      %dma_start3A_86 = arith.constant 0 : i32
      %dma_start3A_87 = arith.constant 0 : i32
      %dma_start3A_88 = tpu.memref_slice %arg7[%dma_start3A_86, %dma_start3A_87] : memref<208x32xf32, #tpu.memory_space<vmem>> -> memref<200x32xf32, #tpu.memory_space<vmem>>
      %dma_start3A_89 = arith.constant 0 : i32
      %dma_start3A_90 = tpu.memref_slice %arg3[%mul3A_80, %dma_start3A_89] : memref<1000000x32xf32, #tpu.memory_space<hbm>> -> memref<200x32xf32, #tpu.memory_space<hbm>>
      tpu.enqueue_dma source(%dma_start3A_90 : memref<200x32xf32, #tpu.memory_space<hbm>>) target(%dma_start3A_88 : memref<200x32xf32, #tpu.memory_space<vmem>>) target_semaphore(%arg12 : memref<!tpu.dma_semaphore, #tpu.memory_space<semaphore_mem>>)
      %dma_wait3A_91 = arith.constant 0 : i32
      %dma_wait3A_92 = arith.constant 0 : i32
      %dma_wait3A_93 = tpu.memref_slice %arg6[%dma_wait3A_91, %dma_wait3A_92] : memref<208x32xf32, #tpu.memory_space<vmem>> -> memref<200x32xf32, #tpu.memory_space<vmem>>
      %dma_wait3A_94 = arith.constant 0 : i32
      %dma_wait3A_95 = tpu.memref_slice %arg3[%mul3A_69, %dma_wait3A_94] : memref<1000000x32xf32, #tpu.memory_space<hbm>> -> memref<200x32xf32, #tpu.memory_space<hbm>>
      %dma_wait3A_96 = arith.constant 0 : i32
      %dma_wait3A_97 = arith.constant 0 : i32
      %dma_wait3A_98 = tpu.memref_slice %arg6[%dma_wait3A_96, %dma_wait3A_97] : memref<208x32xf32, #tpu.memory_space<vmem>> -> memref<200x32xf32, #tpu.memory_space<vmem>>
      %dma_wait3A_99 = arith.constant 0 : i32
      %dma_wait3A_100 = tpu.memref_slice %arg3[%mul3A_69, %dma_wait3A_99] : memref<1000000x32xf32, #tpu.memory_space<hbm>> -> memref<200x32xf32, #tpu.memory_space<hbm>>
      tpu.wait_dma2 semaphore(%arg11 : memref<!tpu.dma_semaphore, #tpu.memory_space<semaphore_mem>>) src(%dma_wait3A_100 : memref<200x32xf32, #tpu.memory_space<hbm>>) dst(%dma_wait3A_98 : memref<200x32xf32, #tpu.memory_space<vmem>>)
      %dma_start3A_101 = arith.constant 0 : i32
      %dma_start3A_102 = arith.constant 0 : i32
      %dma_start3A_103 = tpu.memref_slice %arg6[%dma_start3A_101, %dma_start3A_102] : memref<208x32xf32, #tpu.memory_space<vmem>> -> memref<200x32xf32, #tpu.memory_space<vmem>>
      %dma_start3A_104 = arith.constant 0 : i32
      %dma_start3A_105 = tpu.memref_slice %arg5[%arg0, %mul3A_56, %dma_start3A_104] : memref<2x1000000x32xf32, #tpu.memory_space<hbm>> -> memref<1x200x32xf32, #tpu.memory_space<hbm>>
      %dma_start3A_106 = tpu.memref_squeeze %dma_start3A_105 : memref<1x200x32xf32, #tpu.memory_space<hbm>> -> memref<200x32xf32, #tpu.memory_space<hbm>>
      %dma_start3A_107 = arith.constant 0 : i32
      %dma_start3A_108 = tpu.memref_slice %arg5[%arg0, %mul3A_56, %dma_start3A_107] : memref<2x1000000x32xf32, #tpu.memory_space<hbm>> -> memref<1x200x32xf32, #tpu.memory_space<hbm>>
      %dma_start3A_109 = tpu.memref_squeeze %dma_start3A_108 : memref<1x200x32xf32, #tpu.memory_space<hbm>> -> memref<200x32xf32, #tpu.memory_space<hbm>>
      %dma_start3A_110 = arith.constant 0 : i32
      %dma_start3A_111 = arith.constant 0 : i32
      %dma_start3A_112 = tpu.memref_slice %arg6[%dma_start3A_110, %dma_start3A_111] : memref<208x32xf32, #tpu.memory_space<vmem>> -> memref<200x32xf32, #tpu.memory_space<vmem>>
      tpu.enqueue_dma source(%dma_start3A_112 : memref<200x32xf32, #tpu.memory_space<vmem>>) target(%dma_start3A_109 : memref<200x32xf32, #tpu.memory_space<hbm>>) target_semaphore(%arg13 : memref<!tpu.dma_semaphore, #tpu.memory_space<semaphore_mem>>)
      %dma_wait3A_113 = arith.constant 0 : i32
      %dma_wait3A_114 = arith.constant 0 : i32
      %dma_wait3A_115 = tpu.memref_slice %arg7[%dma_wait3A_113, %dma_wait3A_114] : memref<208x32xf32, #tpu.memory_space<vmem>> -> memref<200x32xf32, #tpu.memory_space<vmem>>
      %dma_wait3A_116 = arith.constant 0 : i32
      %dma_wait3A_117 = tpu.memref_slice %arg3[%mul3A_80, %dma_wait3A_116] : memref<1000000x32xf32, #tpu.memory_space<hbm>> -> memref<200x32xf32, #tpu.memory_space<hbm>>
      %dma_wait3A_118 = arith.constant 0 : i32
      %dma_wait3A_119 = arith.constant 0 : i32
      %dma_wait3A_120 = tpu.memref_slice %arg7[%dma_wait3A_118, %dma_wait3A_119] : memref<208x32xf32, #tpu.memory_space<vmem>> -> memref<200x32xf32, #tpu.memory_space<vmem>>
      %dma_wait3A_121 = arith.constant 0 : i32
      %dma_wait3A_122 = tpu.memref_slice %arg3[%mul3A_80, %dma_wait3A_121] : memref<1000000x32xf32, #tpu.memory_space<hbm>> -> memref<200x32xf32, #tpu.memory_space<hbm>>
      tpu.wait_dma2 semaphore(%arg12 : memref<!tpu.dma_semaphore, #tpu.memory_space<semaphore_mem>>) src(%dma_wait3A_122 : memref<200x32xf32, #tpu.memory_space<hbm>>) dst(%dma_wait3A_120 : memref<200x32xf32, #tpu.memory_space<vmem>>)
      %dma_start3A_123 = arith.constant 0 : i32
      %dma_start3A_124 = arith.constant 0 : i32
      %dma_start3A_125 = tpu.memref_slice %arg7[%dma_start3A_123, %dma_start3A_124] : memref<208x32xf32, #tpu.memory_space<vmem>> -> memref<200x32xf32, #tpu.memory_space<vmem>>
      %dma_start3A_126 = arith.constant 0 : i32
      %dma_start3A_127 = tpu.memref_slice %arg5[%arg0, %mul3A_58, %dma_start3A_126] : memref<2x1000000x32xf32, #tpu.memory_space<hbm>> -> memref<1x200x32xf32, #tpu.memory_space<hbm>>
      %dma_start3A_128 = tpu.memref_squeeze %dma_start3A_127 : memref<1x200x32xf32, #tpu.memory_space<hbm>> -> memref<200x32xf32, #tpu.memory_space<hbm>>
      %dma_start3A_129 = arith.constant 0 : i32
      %dma_start3A_130 = tpu.memref_slice %arg5[%arg0, %mul3A_58, %dma_start3A_129] : memref<2x1000000x32xf32, #tpu.memory_space<hbm>> -> memref<1x200x32xf32, #tpu.memory_space<hbm>>
      %dma_start3A_131 = tpu.memref_squeeze %dma_start3A_130 : memref<1x200x32xf32, #tpu.memory_space<hbm>> -> memref<200x32xf32, #tpu.memory_space<hbm>>
      %dma_start3A_132 = arith.constant 0 : i32
      %dma_start3A_133 = arith.constant 0 : i32
      %dma_start3A_134 = tpu.memref_slice %arg7[%dma_start3A_132, %dma_start3A_133] : memref<208x32xf32, #tpu.memory_space<vmem>> -> memref<200x32xf32, #tpu.memory_space<vmem>>
      tpu.enqueue_dma source(%dma_start3A_134 : memref<200x32xf32, #tpu.memory_space<vmem>>) target(%dma_start3A_131 : memref<200x32xf32, #tpu.memory_space<hbm>>) target_semaphore(%arg14 : memref<!tpu.dma_semaphore, #tpu.memory_space<semaphore_mem>>)
    }
    %scan3A_5 = arith.constant 78 : i32
    %dma_wait3A = arith.constant 0 : i32
    %dma_wait3A_6 = arith.constant 0 : i32
    %dma_wait3A_7 = tpu.memref_slice %arg6[%dma_wait3A, %dma_wait3A_6] : memref<208x32xf32, #tpu.memory_space<vmem>> -> memref<200x32xf32, #tpu.memory_space<vmem>>
    %dma_wait3A_8 = arith.constant 0 : i32
    %dma_wait3A_9 = arith.constant 0 : i32
    %dma_wait3A_10 = tpu.memref_slice %arg5[%arg0, %dma_wait3A_8, %dma_wait3A_9] : memref<2x1000000x32xf32, #tpu.memory_space<hbm>> -> memref<1x200x32xf32, #tpu.memory_space<hbm>>
    %dma_wait3A_11 = tpu.memref_squeeze %dma_wait3A_10 : memref<1x200x32xf32, #tpu.memory_space<hbm>> -> memref<200x32xf32, #tpu.memory_space<hbm>>
    %dma_wait3A_12 = arith.constant 0 : i32
    %dma_wait3A_13 = arith.constant 0 : i32
    %dma_wait3A_14 = tpu.memref_slice %arg5[%arg0, %dma_wait3A_12, %dma_wait3A_13] : memref<2x1000000x32xf32, #tpu.memory_space<hbm>> -> memref<1x200x32xf32, #tpu.memory_space<hbm>>
    %dma_wait3A_15 = tpu.memref_squeeze %dma_wait3A_14 : memref<1x200x32xf32, #tpu.memory_space<hbm>> -> memref<200x32xf32, #tpu.memory_space<hbm>>
    %dma_wait3A_16 = arith.constant 0 : i32
    %dma_wait3A_17 = arith.constant 0 : i32
    %dma_wait3A_18 = tpu.memref_slice %arg6[%dma_wait3A_16, %dma_wait3A_17] : memref<208x32xf32, #tpu.memory_space<vmem>> -> memref<200x32xf32, #tpu.memory_space<vmem>>
    tpu.wait_dma2 semaphore(%arg13 : memref<!tpu.dma_semaphore, #tpu.memory_space<semaphore_mem>>) src(%dma_wait3A_18 : memref<200x32xf32, #tpu.memory_space<vmem>>) dst(%dma_wait3A_15 : memref<200x32xf32, #tpu.memory_space<hbm>>)
    %dma_wait3A_19 = arith.constant 0 : i32
    %dma_wait3A_20 = arith.constant 0 : i32
    %dma_wait3A_21 = tpu.memref_slice %arg7[%dma_wait3A_19, %dma_wait3A_20] : memref<208x32xf32, #tpu.memory_space<vmem>> -> memref<200x32xf32, #tpu.memory_space<vmem>>
    %dma_wait3A_22 = arith.constant 0 : i32
    %dma_wait3A_23 = arith.constant 0 : i32
    %dma_wait3A_24 = tpu.memref_slice %arg5[%arg0, %dma_wait3A_22, %dma_wait3A_23] : memref<2x1000000x32xf32, #tpu.memory_space<hbm>> -> memref<1x200x32xf32, #tpu.memory_space<hbm>>
    %dma_wait3A_25 = tpu.memref_squeeze %dma_wait3A_24 : memref<1x200x32xf32, #tpu.memory_space<hbm>> -> memref<200x32xf32, #tpu.memory_space<hbm>>
    %dma_wait3A_26 = arith.constant 0 : i32
    %dma_wait3A_27 = arith.constant 0 : i32
    %dma_wait3A_28 = tpu.memref_slice %arg5[%arg0, %dma_wait3A_26, %dma_wait3A_27] : memref<2x1000000x32xf32, #tpu.memory_space<hbm>> -> memref<1x200x32xf32, #tpu.memory_space<hbm>>
    %dma_wait3A_29 = tpu.memref_squeeze %dma_wait3A_28 : memref<1x200x32xf32, #tpu.memory_space<hbm>> -> memref<200x32xf32, #tpu.memory_space<hbm>>
    %dma_wait3A_30 = arith.constant 0 : i32
    %dma_wait3A_31 = arith.constant 0 : i32
    %dma_wait3A_32 = tpu.memref_slice %arg7[%dma_wait3A_30, %dma_wait3A_31] : memref<208x32xf32, #tpu.memory_space<vmem>> -> memref<200x32xf32, #tpu.memory_space<vmem>>
    tpu.wait_dma2 semaphore(%arg14 : memref<!tpu.dma_semaphore, #tpu.memory_space<semaphore_mem>>) src(%dma_wait3A_32 : memref<200x32xf32, #tpu.memory_space<vmem>>) dst(%dma_wait3A_29 : memref<200x32xf32, #tpu.memory_space<hbm>>)
    %lt3A = arith.constant 8 : i32
    %lt3A_33 = arith.cmpi slt, %add3A, %lt3A : i32
    %convert_element_type3A = arith.extui %lt3A_33 : i1 to i32
    %cond3A = arith.constant 0 : i32
    %cond3A_34 = arith.cmpi ne, %convert_element_type3A, %cond3A : i32
    scf.if %cond3A_34 {
      %add3A_42 = arith.constant 4992 : i32
      %add3A_43 = arith.addi %add3A, %add3A_42 : i32
      %mul3A_44 = arith.constant 200 : i32
      %mul3A_45 = arith.muli %add3A_43, %mul3A_44 : i32
      "tpu.region"() ({
        %run_scoped3A = tpu.sem_alloc : memref<!tpu.dma_semaphore, #tpu.memory_space<semaphore_mem>>
        %dma_start3A = arith.constant 0 : i32
        %dma_start3A_48 = arith.constant 0 : i32
        %dma_start3A_49 = tpu.memref_slice %arg6[%dma_start3A, %dma_start3A_48] : memref<208x32xf32, #tpu.memory_space<vmem>> -> memref<200x32xf32, #tpu.memory_space<vmem>>
        %dma_start3A_50 = arith.constant 0 : i32
        %dma_start3A_51 = tpu.memref_slice %arg3[%mul3A_45, %dma_start3A_50] : memref<1000000x32xf32, #tpu.memory_space<hbm>> -> memref<200x32xf32, #tpu.memory_space<hbm>>
        %dma_start3A_52 = arith.constant 0 : i32
        %dma_start3A_53 = arith.constant 0 : i32
        %dma_start3A_54 = tpu.memref_slice %arg6[%dma_start3A_52, %dma_start3A_53] : memref<208x32xf32, #tpu.memory_space<vmem>> -> memref<200x32xf32, #tpu.memory_space<vmem>>
        %dma_start3A_55 = arith.constant 0 : i32
        %dma_start3A_56 = tpu.memref_slice %arg3[%mul3A_45, %dma_start3A_55] : memref<1000000x32xf32, #tpu.memory_space<hbm>> -> memref<200x32xf32, #tpu.memory_space<hbm>>
        tpu.enqueue_dma source(%dma_start3A_56 : memref<200x32xf32, #tpu.memory_space<hbm>>) target(%dma_start3A_54 : memref<200x32xf32, #tpu.memory_space<vmem>>) target_semaphore(%run_scoped3A : memref<!tpu.dma_semaphore, #tpu.memory_space<semaphore_mem>>)
        %dma_wait3A_57 = arith.constant 0 : i32
        %dma_wait3A_58 = arith.constant 0 : i32
        %dma_wait3A_59 = tpu.memref_slice %arg6[%dma_wait3A_57, %dma_wait3A_58] : memref<208x32xf32, #tpu.memory_space<vmem>> -> memref<200x32xf32, #tpu.memory_space<vmem>>
        %dma_wait3A_60 = arith.constant 0 : i32
        %dma_wait3A_61 = tpu.memref_slice %arg3[%mul3A_45, %dma_wait3A_60] : memref<1000000x32xf32, #tpu.memory_space<hbm>> -> memref<200x32xf32, #tpu.memory_space<hbm>>
        %dma_wait3A_62 = arith.constant 0 : i32
        %dma_wait3A_63 = arith.constant 0 : i32
        %dma_wait3A_64 = tpu.memref_slice %arg6[%dma_wait3A_62, %dma_wait3A_63] : memref<208x32xf32, #tpu.memory_space<vmem>> -> memref<200x32xf32, #tpu.memory_space<vmem>>
        %dma_wait3A_65 = arith.constant 0 : i32
        %dma_wait3A_66 = tpu.memref_slice %arg3[%mul3A_45, %dma_wait3A_65] : memref<1000000x32xf32, #tpu.memory_space<hbm>> -> memref<200x32xf32, #tpu.memory_space<hbm>>
        tpu.wait_dma2 semaphore(%run_scoped3A : memref<!tpu.dma_semaphore, #tpu.memory_space<semaphore_mem>>) src(%dma_wait3A_66 : memref<200x32xf32, #tpu.memory_space<hbm>>) dst(%dma_wait3A_64 : memref<200x32xf32, #tpu.memory_space<vmem>>)
        tpu.yield
      }) : () -> ()
      %mul3A_46 = arith.constant 200 : i32
      %mul3A_47 = arith.muli %add3A_43, %mul3A_46 : i32
      "tpu.region"() ({
        %run_scoped3A = tpu.sem_alloc : memref<!tpu.dma_semaphore, #tpu.memory_space<semaphore_mem>>
        %dma_start3A = arith.constant 0 : i32
        %dma_start3A_48 = arith.constant 0 : i32
        %dma_start3A_49 = tpu.memref_slice %arg6[%dma_start3A, %dma_start3A_48] : memref<208x32xf32, #tpu.memory_space<vmem>> -> memref<200x32xf32, #tpu.memory_space<vmem>>
        %dma_start3A_50 = arith.constant 0 : i32
        %dma_start3A_51 = tpu.memref_slice %arg5[%arg0, %mul3A_47, %dma_start3A_50] : memref<2x1000000x32xf32, #tpu.memory_space<hbm>> -> memref<1x200x32xf32, #tpu.memory_space<hbm>>
        %dma_start3A_52 = tpu.memref_squeeze %dma_start3A_51 : memref<1x200x32xf32, #tpu.memory_space<hbm>> -> memref<200x32xf32, #tpu.memory_space<hbm>>
        %dma_start3A_53 = arith.constant 0 : i32
        %dma_start3A_54 = tpu.memref_slice %arg5[%arg0, %mul3A_47, %dma_start3A_53] : memref<2x1000000x32xf32, #tpu.memory_space<hbm>> -> memref<1x200x32xf32, #tpu.memory_space<hbm>>
        %dma_start3A_55 = tpu.memref_squeeze %dma_start3A_54 : memref<1x200x32xf32, #tpu.memory_space<hbm>> -> memref<200x32xf32, #tpu.memory_space<hbm>>
        %dma_start3A_56 = arith.constant 0 : i32
        %dma_start3A_57 = arith.constant 0 : i32
        %dma_start3A_58 = tpu.memref_slice %arg6[%dma_start3A_56, %dma_start3A_57] : memref<208x32xf32, #tpu.memory_space<vmem>> -> memref<200x32xf32, #tpu.memory_space<vmem>>
        tpu.enqueue_dma source(%dma_start3A_58 : memref<200x32xf32, #tpu.memory_space<vmem>>) target(%dma_start3A_55 : memref<200x32xf32, #tpu.memory_space<hbm>>) target_semaphore(%run_scoped3A : memref<!tpu.dma_semaphore, #tpu.memory_space<semaphore_mem>>)
        %dma_wait3A_59 = arith.constant 0 : i32
        %dma_wait3A_60 = arith.constant 0 : i32
        %dma_wait3A_61 = tpu.memref_slice %arg6[%dma_wait3A_59, %dma_wait3A_60] : memref<208x32xf32, #tpu.memory_space<vmem>> -> memref<200x32xf32, #tpu.memory_space<vmem>>
        %dma_wait3A_62 = arith.constant 0 : i32
        %dma_wait3A_63 = tpu.memref_slice %arg5[%arg0, %mul3A_47, %dma_wait3A_62] : memref<2x1000000x32xf32, #tpu.memory_space<hbm>> -> memref<1x200x32xf32, #tpu.memory_space<hbm>>
        %dma_wait3A_64 = tpu.memref_squeeze %dma_wait3A_63 : memref<1x200x32xf32, #tpu.memory_space<hbm>> -> memref<200x32xf32, #tpu.memory_space<hbm>>
        %dma_wait3A_65 = arith.constant 0 : i32
        %dma_wait3A_66 = tpu.memref_slice %arg5[%arg0, %mul3A_47, %dma_wait3A_65] : memref<2x1000000x32xf32, #tpu.memory_space<hbm>> -> memref<1x200x32xf32, #tpu.memory_space<hbm>>
        %dma_wait3A_67 = tpu.memref_squeeze %dma_wait3A_66 : memref<1x200x32xf32, #tpu.memory_space<hbm>> -> memref<200x32xf32, #tpu.memory_space<hbm>>
        %dma_wait3A_68 = arith.constant 0 : i32
        %dma_wait3A_69 = arith.constant 0 : i32
        %dma_wait3A_70 = tpu.memref_slice %arg6[%dma_wait3A_68, %dma_wait3A_69] : memref<208x32xf32, #tpu.memory_space<vmem>> -> memref<200x32xf32, #tpu.memory_space<vmem>>
        tpu.wait_dma2 semaphore(%run_scoped3A : memref<!tpu.dma_semaphore, #tpu.memory_space<semaphore_mem>>) src(%dma_wait3A_70 : memref<200x32xf32, #tpu.memory_space<vmem>>) dst(%dma_wait3A_67 : memref<200x32xf32, #tpu.memory_space<hbm>>)
        tpu.yield
      }) : () -> ()
    } else {
    }
    %barrier3A = arith.constant 0 : index
    tpu.barrier barrier_id(%barrier3A)
    %iota3A = tpu.iota {dimensions = array<i32: 0>} : vector<16xi32>
    %mul3A_35 = arith.constant 512 : i32
    %mul3A_36 = arith.muli %add3A, %mul3A_35 : i32
    %scan3A_37 = arith.constant 0 : i32
    %scan3A_38 = arith.constant 0 : i32
    %scan3A_39 = arith.constant 0 : i32
    %scan3A_40 = arith.addi %scan3A_38, %scan3A_39 : i32
    %scan3A_41 = arith.constant 0 : i32
    return
  }
}

</mosaic_0001>

<sc_bundles>
// kernel: kernel.3.cloned.1.call-start
scs
__scs_entry_jumppad:
0x0: {  	(pc) =	sbr.rel $0x88, $3  }
0x1: {  	(tag) =	ssettag $0x0;
	lr =	simm.s32 $0x1  }
0x2: {  	[smem:$0x3F9F] =	sst lr;
	_ =	strace $0xD0000000  }
0x3: {  	_ = 	snop  }
0x4: {  	_ = 	snop  }
0x5: {  	_ = 	snop  }
0x6: {  	_ = 	snop  }
0x7: {  	_ = 	snop  }
__scs_overlays_trampoline_lowered:
0x8: {  	[smem:$0x3FAE] =	sst s0  }
0x9: {  	[smem:$0x3FAF] =	sst s1  }
0xa: {  	[smem:$0x3FB0] =	sst s2  }
0xb: {  	[smem:$0x3FB1] =	sst s3  }
0xc: {  	[smem:$0x3FB2] =	sst s4  }
0xd: {  	[smem:$0x3FB3] =	sst s5  }
0xe: {  	[smem:$0x3FB4] =	sst s6  }
0xf: {  	[smem:$0x3FB5] =	sst s7  }
0x10: {  	[smem:$0x3FB6] =	sst s8  }
0x11: {  	[smem:$0x3FB7] =	sst s9;
	s0 =	simm.s32 @!p0 $0x0  }
0x12: {  	s1 =	sld [smem:$0x3F9D];
	s0 =	simm.s32 @p0 $0x1  }
0x13: {  	[smem:$0x3FB8] =	sst s0;
	s0 =	simm.s32 @!p1 $0x0  }
0x14: {  	s2 =	sld [smem:$0x3F9C];
	s0 =	simm.s32 @p1 $0x1  }
0x15: {  	[smem:$0x3FB9] =	sst s0;
	s0 =	simm.s32 @!p2 $0x0  }
0x16: {  	s3 =	sld [smem:$0x3FDB];
	s0 =	simm.s32 @p2 $0x1  }
0x17: {  	s4 =	simm.s32 $0x1BF5;
	[smem:$0x3FBB] =	sst s0  }
0x18: {  	s0 =	sld [smem:$0x3F9E];
	_ =	swait.ge [sflag:s4], $0x0  }
0x19: {  	s7 =	sld [smem:$0x3F9F]  }
0x1a: {  	s8 =	sadd.s32 $0xFFFFE003, lr  }
0x1b: {  	s9 =	sadd.s32 $0xFFFFFEF7, lr;
	s5 =	simm.s32 $0xFFFFFFFF;
	p2 =	slt.u32 s8, $0xFFFFF086  }
0x1c: {  	p1 =	slt.u32 s9, $0xF7A;
	s5 =	simm.s32 @!p2 $0x0  }
0x1d: {  	s5 =	simm.s32 @p1 $0x1;
	p0 =	seq.s32 s7, s2  }
0x1e: {  	s7 =	smul.u32 @!p0 $0xF7A, s2;
	p2 =	seq.s32 @!p0 s5, $0x0  }
0x1f: {  	s9 =	smul.u32 $0xF7A, s1;
	s8 =	simm.s32 @!p0 $0x1BF5;
	p2 =	por !p2, p0  }
0x20: {  	[sflag:s8] =	ssyncset.s32 @!p0 $0xFFFFF086;
	s6 =	sadd.s32 @!p0 s3, s7;
	s7 =	simm.s32 @!p0 $0x108  }
0x21: {  	s3 =	sadd.s32 s3, s9;
	s6 =	sadd.s32 @!p0 $0x88, s6;
	s7 =	simm.s32 @p2 $0x1082  }
0x22: {  	[simem:s7], [sflag:s8] =	dma.local @!p0 [hbm:s6], $0xF7A  }
0x23: {  	s9 =	sor.u32 $0xD0000000, s2;
	s6 =	simm.s32 $0x108;
	_ =	swait.ge @!p0 [sflag:s8], $0x0  }
0x24: {  	s3 =	sadd.s32 $0x88, s3;
	s6 =	simm.s32 @!p1 $0x1082;
	[sflag:s4] =	ssyncset.s32 $0xFFFFF086  }
0x25: {  	[simem:s6], [sflag:s4] =	dma.local [hbm:s3], $0xF7A  }
0x26: {  	[smem:$0x3F9F] =	sst s1;
	(tag) =	ssettag s2;
	_ =	strace s9  }
0x27: {  	s1 =	sld [smem:$0x3FAF]  }
0x28: {  	s2 =	sld [smem:$0x3FB0]  }
0x29: {  	s4 =	sld [smem:$0x3FB2]  }
0x2a: {  	p0 =	seq.s32 s5, $0x0;
	s5 =	sld [smem:$0x3FB3]  }
0x2b: {  	s6 =	sld [smem:$0x3FB4]  }
0x2c: {  	s7 =	sld [smem:$0x3FB5]  }
0x2d: {  	s3 =	simm.s32 $0x108;
	s8 =	sld [smem:$0x3FB6]  }
0x2e: {  	s3 =	simm.s32 @!p0 $0x1082;
	s9 =	sld [smem:$0x3FB7]  }
0x2f: {  	lr =	sadd.s32 s0, s3;
	s0 =	sld [smem:$0x3FAE]  }
0x30: {  	s3 =	sld [smem:$0x3FB1]  }
0x31: {  	[smem:$0x3FBA] =	sst s10  }
0x32: {  	s10 =	sld [smem:$0x3FB8];
	_ =	sdelay $0x3  }
0x33: {  	p0 =	seq.s32 s10, $0x1;
	s10 =	sld [smem:$0x3FBA];
	_ =	sdelay $0x3  }
0x34: {  	[smem:$0x3FBA] =	sst s10  }
0x35: {  	s10 =	sld [smem:$0x3FB9];
	_ =	sdelay $0x3  }
0x36: {  	p1 =	seq.s32 s10, $0x1;
	s10 =	sld [smem:$0x3FBA];
	_ =	sdelay $0x3  }
0x37: {  	[smem:$0x3FBA] =	sst s10  }
0x38: {  	s10 =	sld [smem:$0x3FBB]  }
0x39: {  	_ = 	snop;
	(pc) =	sbr.ind lr, $3  }
0x3a: {  	_ = 	snop  }
0x3b: {  	_ = 	snop  }
0x3c: {  	p2 =	seq.s32 s10, $0x1;
	s10 =	sld [smem:$0x3FBA]  }
0x3d: {  	_ =	shalt  }
0x3e: {  	_ =	shalt  }
0x3f: {  	_ =	shalt  }
0x40: {  	_ =	shalt  }
0x41: {  	_ =	shalt  }
0x42: {  	_ =	shalt  }
0x43: {  	_ =	shalt  }
0x44: {  	_ =	shalt  }
0x45: {  	_ =	shalt  }
0x46: {  	_ =	shalt  }
0x47: {  	_ =	shalt  }
0x48: {  	_ =	shalt  }
0x49: {  	_ =	shalt  }
0x4a: {  	_ =	shalt  }
0x4b: {  	_ =	shalt  }
0x4c: {  	_ =	shalt  }
0x4d: {  	_ =	shalt  }
0x4e: {  	_ =	shalt  }
0x4f: {  	_ =	shalt  }
0x50: {  	_ =	shalt  }
0x51: {  	_ =	shalt  }
0x52: {  	_ =	shalt  }
0x53: {  	_ =	shalt  }
0x54: {  	_ =	shalt  }
0x55: {  	_ =	shalt  }
0x56: {  	_ =	shalt  }
0x57: {  	_ =	shalt  }
0x58: {  	_ =	shalt  }
0x59: {  	_ =	shalt  }
0x5a: {  	_ =	shalt  }
0x5b: {  	_ =	shalt  }
0x5c: {  	_ =	shalt  }
0x5d: {  	_ =	shalt  }
0x5e: {  	_ =	shalt  }
0x5f: {  	_ =	shalt  }
0x60: {  	_ =	shalt  }
0x61: {  	_ =	shalt  }
0x62: {  	_ =	shalt  }
0x63: {  	_ =	shalt  }
0x64: {  	_ =	shalt  }
0x65: {  	_ =	shalt  }
0x66: {  	_ =	shalt  }
0x67: {  	_ =	shalt  }
0x68: {  	_ =	shalt  }
0x69: {  	_ =	shalt  }
0x6a: {  	_ =	shalt  }
0x6b: {  	_ =	shalt  }
0x6c: {  	_ =	shalt  }
0x6d: {  	_ =	shalt  }
0x6e: {  	_ =	shalt  }
0x6f: {  	_ =	shalt  }
0x70: {  	_ =	shalt  }
0x71: {  	_ =	shalt  }
0x72: {  	_ =	shalt  }
0x73: {  	_ =	shalt  }
0x74: {  	_ =	shalt  }
0x75: {  	_ =	shalt  }
0x76: {  	_ =	shalt  }
0x77: {  	_ =	shalt  }
0x78: {  	_ =	shalt  }
0x79: {  	_ =	shalt  }
0x7a: {  	_ =	shalt  }
0x7b: {  	_ =	shalt  }
0x7c: {  	_ =	shalt  }
0x7d: {  	_ =	shalt  }
0x7e: {  	_ =	shalt  }
0x7f: {  	_ =	shalt  }
0x80: {  	_ =	shalt  }
0x81: {  	_ =	shalt  }
0x82: {  	_ =	shalt  }
0x83: {  	_ =	shalt  }
0x84: {  	_ =	shalt  }
0x85: {  	_ =	shalt  }
0x86: {  	_ =	shalt  }
0x87: {  	_ =	shalt  }
.Lfunc_end0:
.L_simem_size_0:
called_computation_lowered:
.L_overlay_start_0:
0x88: {  	s2 =	sld [smem:$0x3FD9]  }
0x89: {  	s3 =	sld [smem:$0x3FFE];
	_ =	sdelay $0x1  }
0x8a: {  	s1 =	srdreg.scid  }
0x8b: {  	s0 =	sand.u32 $0x1, s1  }
0x8c: {  	s17 =	sshll.u32 s0, $0xA;
	s2 =	sadd.s32 s3, s2  }
0x8d: {  	s3 =	sadd.s32 s2, s17  }
0x8e: {  	[smem:$0x3FC6] =	sst s3  }
0x8f: {  	_ = 	snop  }
0x90: {  	(tm) =	ssettm $0x1  }
0x91: {  	s18 =	sld [smem:$0x3FFB];
	_ =	sdelay $0x3  }
0x92: {  	_ =	strace s18  }
0x93: {  	s3 =	sld [smem:$0x3FFC];
	_ =	sdelay $0x3  }
0x94: {  	_ =	strace s3  }
0x95: {  	s3 =	sld [smem:$0x3FFD];
	_ =	sdelay $0x3  }
0x96: {  	_ =	strace s3  }
0x97: {  	_ =	strace $0x8FFFFFFF  }
0x98: {  	s19 =	sld [smem:$0x3FDB];
	_ =	sdelay $0x1  }
0x99: {  	s4 =	simm.s32 $_scs_section_size  }
0x9a: {  	s5 =	simm.s32 $_size__tile_overlayer_lowered;
	s6 =	simm.s32 $_tile_overlayer_lowered  }
0x9b: {  	s22 =	simm.s32 $0x1BFF;
	s21 =	sshll.u32 s6, $0x1;
	s3 =	sadd.s32 s4, s19  }
0x9c: {  	s7 =	simm.s32 $0x0;
	s20 =	sshll.u32 s5, $0x1;
	s5 =	sadd.s32 s21, s3  }
0x9d: {  	[timem:s7], [sflag:s22] =	dma.local [hbm:s5], s20  }
0x9e: {  	_ =	swait.ge [sflag:s22], s20  }
0x9f: {  	s4 =	ssub.s32 $0x0, s20;
	[sflag:s22] =	ssyncset.done $0x0  }
0xa0: {  	[sflag:s22] =	ssyncadd.s32 s4;
	_ =	sdelay $0x1  }
0xa1: {  	s23 =	simm.s32 $0x1B8B  }
0xa2: {  	_ =	swait.ge [sflag:s23], $0x1  }
0xa3: {  	[sflag:s23] =	ssyncset.done $0x0  }
0xa4: {  	s25 =	simm.s32 $0x1B8E;
	s24 =	sld [smem:$0x3FFE];
	[sflag:s23] =	ssyncadd.s32 $0xFFFFFFFF  }
0xa5: {  	s26 =	simm.s32 $execute0_lowered;
	[smem:$0x3FD2] =	sst s25  }
0xa6: {  	s5 =	sshll.u32 s26, $0x1;
	_ =	strace $0x80000046;
	[dreg:$0x1] =	wrdreg $0xFFFFFFFF  }
0xa7: {  	s28 =	simm.s32 $_size_execute0_lowered;
	s3 =	sadd.s32 s3, s5;
	[dreg:$0x0] =	wrdreg $0x0  }
0xa8: {  	s5 =	sshll.u32 s28, $0x1;
	[dreg:$0x2] =	wrdreg s3  }
0xa9: {  	[dreg:$0x3] =	wrdreg s5  }
0xaa: {  	[dreg:$0x4] =	wrdreg $0xC0  }
0xab: {  	_ =	task [dreg:s7], $0x5FFFF  }
0xac: {  	[dreg:$0x1] =	wrdreg $0xFFFFFFFF  }
0xad: {  	[dreg:$0x0] =	wrdreg $0x60  }
0xae: {  	s2 =	sadd.s32 $0x800, s2;
	[dreg:$0x2] =	wrdreg s24  }
0xaf: {  	[dreg:$0x3] =	wrdreg s2  }
0xb0: {  	[dreg:$0x4] =	wrdreg $0x9  }
0xb1: {  	_ =	task.clear_ibuf [dreg:s7], $0x5FFFF;
	_ =	strace $0x90000046  }
0xb2: {  	s29 =	simm.s32 $0x9;
	_ =	strace $0x80000048  }
0xb3: {  	_ =	swait.ge [sflag:s29], $0x1  }
0xb4: {  	[sflag:s29] =	ssyncadd.s32 $0xFFFFFFFF  }
0xb5: {  	_ =	strace $0x90000048  }
0xb6: {  	_ =	sfence  }
0xb7: {  	s30 =	sld [smem:$0x0];
	_ =	sdelay $0x2  }
0xb8: {  	s31 =	sshll.u32 s1, $0xD;
	s1 =	sshrl.u32 s1, $0x2  }
0xb9: {  	s3 =	sand.u32 $0x4000, s31;
	s1 =	sadd.s32 s1, s30  }
0xba: {  	s0 =	sor.u32 s3, s0;
	s1 =	sshll.u32 s1, $0x11  }
0xbb: {  	s0 =	sor.u32 s1, s0  }
0xbc: {  	s0 =	sadd.s32 $0x8F2B, s0  }
0xbd: {  	[sflag:s0] =	ssyncadd.remote.s32 $0x1  }
0xbe: {  	_ =	sfence.sel $0xFFFF  }
0xbf: {  	[dreg:$0x0] =	wrdreg $0xFFFFFFFF;
	(pc) =	sbr.abs _section_cstart, $3  }
0xc0: {  	[dreg:$0x1] =	wrdreg $0xFFFFFFFF  }
0xc1: {  	_ =	task.clear_ibuf [dreg:s7], $0x2FFFF;
	_ =	strace $0x9FFFFFFF  }
0xc2: {  	(tm) =	ssettm $0x7FFFFFFF  }
0xc3: {  	_ =	shalt  }
tec
execute0_lowered:
.L_overlay_start_1:
0x0: {  	(tag) =	ssettag $0x1  }
0x1: {  	s4 =	rddreg [dreg:$0x0]  }
0x2: {  	s2 =	rddreg [dreg:$0x1];
	s1 =	stileid.u32  }
0x3: {  	s5 =	srdreg.scid;
	s25 =	smul.u32 $0xC800, s1  }
0x4: {  	s0 =	rddreg [dreg:$0x2];
	s8 =	sand.u32 $0x1, s5;
	s28 =	smul.u32 $0x1900, s1  }
0x5: {  	s3 =	simm.s32 $0x0;
	s16 =	simm.s32 $0x3;
	s9 =	smul.u32 $0x7A12000, s8  }
0x6: {  	s17 =	simm.s32 $0x4;
	s20 =	sshll.u32 s1, $0x1;
	s15 =	smul.u32 $0x7A18400, s8  }
0x7: {  	s5 =	sor.u32 s8, s20;
	s6 =	ssub.s32 $0x2, s8;
	s8 =	smul.u32 $0xC80, s8  }
0x8: {  	s19 =	simm.s32 $0x0;
	[smem:$0x7FF] =	sst s3;
	s21 =	smul.u32 $0xC8, s5  }
0x9: {  	s10 =	sadd.s32 $0x40400, s4;
	p0 =	sgt.u32 s1, $0x3;
	s11 =	smul.u32 $0xC80, s5  }
0xa: {  	s7 =	sor.u32 $0x20, s5;
	s12 =	sshrl.u32 s6, $0x1;
	s14 =	smul.u32 $0x6400, s5  }
0xb: {  	_ =	strace $0x80000047;
	s13 =	smul.u32 $0xC80, s7;
	s6 =	ssub.s32 s6, s12  }
0xc: {  	s24 =	smul.u32 $0x6400, s7;
	s4 =	sadd.s32 $0xF3C00, s21;
	s5 =	smax.u32 s6, $0x1  }
0xd: {  	s6 =	sadd.s32 s10, s11;
	s26 =	sadd.s32 s9, s14;
	s11 =	sadd.s32 s25, s15  }
0xe: {  	s22 =	sshll.u32 s4, $0x7;
	s4 =	sshll.u32 s4, $0x4;
	s7 =	sadd.s32 s10, s13  }
0xf: {  	s13 =	sshrl.u32 s26, $0x3;
	s29 =	sadd.s32 $0x258000, s11;
	s23 =	sadd.s32 s9, s22  }
0x10: {  	s4 =	sadd.s32 s10, s4;
	s9 =	sadd.s32 s9, s24;
	s10 =	sadd.s32 s28, s10  }
0x11: {  	s31 =	sshrl.u32 s29, $0x3;
	s12 =	sadd.s32 s13, s2;
	s13 =	simm.s32 $0x2  }
0x12: {  	s18 =	sshrl.u32 s23, $0x3;
	s30 =	sshrl.u32 s9, $0x3;
	s8 =	sadd.s32 s8, s10  }
0x13: {  	s9 =	sadd.s32 $0x190000, s11;
	s10 =	simm.s32 $0x6800;
	s11 =	simm.s32 $0x1  }
0x14: {  	s15 =	sadd.s32 s2, s31;
	s14 =	sadd.s32 s30, s2;
	s18 =	sadd.s32 @!p0 s18, s2  }
.LBB2_1:
0x15: {  	[tilespmem:s3], [sflag:$0x1] =	stream.linear.gather [hbm4b:s6+s3], $0x6400, $0x38;
	[tilespmem:$0xD000] =	vst v63  }
0x16: {  	_ = 	snop  }
0x17: {  	[tilespmem:s10], [sflag:$0x2] =	stream.linear.gather [hbm4b:s7+s3], $0x6400, $0x38;
	[tilespmem:$0xD000] =	vst v63  }
0x18: {  	_ =	swait.ge [sflag:s11], $0x6400  }
0x19: {  	[sflag:s11] =	ssyncset.done $0x0  }
0x1a: {  	[sflag:s11] =	ssyncadd.s32 $0xFFFF9C00  }
0x1b: {  	[hbm4b:s12+s3] =	stream.linear.scatter [tilespmem:s3], [sflag:$0x3], $0x6400, $0x38;
	[tilespmem:$0xD000] =	vst v63  }
0x1c: {  	_ =	swait.ge [sflag:s13], $0x6400  }
0x1d: {  	[sflag:s13] =	ssyncset.done $0x0  }
0x1e: {  	[sflag:s13] =	ssyncadd.s32 $0xFFFF9C00  }
0x1f: {  	[hbm4b:s14+s3] =	stream.linear.scatter [tilespmem:s10], [sflag:$0x4], $0x6400, $0x38;
	[tilespmem:$0xD000] =	vst v63  }
0x20: {  	_ =	swait.ge [sflag:s16], $0x6400  }
0x21: {  	[sflag:s16] =	ssyncset.done $0x0  }
0x22: {  	[sflag:s16] =	ssyncadd.s32 $0xFFFF9C00  }
0x23: {  	_ =	swait.ge [sflag:s17], $0x6400  }
0x24: {  	s20 =	sadd.s32 $0x0, s8;
	[sflag:s17] =	ssyncset.done $0x0  }
0x25: {  	s21 =	sadd.s32 $0x32000, s20;
	[sflag:s17] =	ssyncadd.s32 $0xFFFF9C00  }
0x26: {  	[tilespmem:s3], [sflag:$0x1] =	stream.linear.gather [hbm4b:s21+s3], $0x6400, $0x38;
	[tilespmem:$0xD000] =	vst v63  }
0x27: {  	s20 =	sadd.s32 $0x4B000, s20  }
0x28: {  	[tilespmem:s10], [sflag:$0x2] =	stream.linear.gather [hbm4b:s20+s3], $0x6400, $0x38;
	[tilespmem:$0xD000] =	vst v63  }
0x29: {  	_ =	swait.ge [sflag:s11], $0x6400  }
0x2a: {  	s31 =	sshrl.u32 s9, $0x3;
	[sflag:s11] =	ssyncset.done $0x0  }
0x2b: {  	s20 =	sadd.s32 s31, s2;
	[sflag:s11] =	ssyncadd.s32 $0xFFFF9C00  }
0x2c: {  	[hbm4b:s20+s3] =	stream.linear.scatter [tilespmem:s3], [sflag:$0x3], $0x6400, $0x38;
	[tilespmem:$0xD000] =	vst v63  }
0x2d: {  	_ =	swait.ge [sflag:s13], $0x6400  }
0x2e: {  	s22 =	sadd.s32 $0x0, s15;
	[sflag:s13] =	ssyncset.done $0x0  }
0x2f: {  	s21 =	sadd.s32 $0x190000, s9;
	s20 =	simm.s32 $0x32000;
	[sflag:s13] =	ssyncadd.s32 $0xFFFF9C00  }
.LBB2_2:
0x30: {  	[hbm4b:s22+s3] =	stream.linear.scatter [tilespmem:s10], [sflag:$0x4], $0x6400, $0x38;
	[tilespmem:$0xD000] =	vst v63  }
0x31: {  	s22 =	smov.u32 s20  }
0x32: {  	p1 =	sne.s32 s20, $0xED8000;
	s20 =	sadd.s32 $0x32000, s20;
	_ =	swait.ge [sflag:s16], $0x6400  }
0x33: {  	[sflag:s16] =	ssyncset.done $0x0  }
0x34: {  	[sflag:s16] =	ssyncadd.s32 $0xFFFF9C00  }
0x35: {  	_ =	swait.ge [sflag:s17], $0x6400  }
0x36: {  	s23 =	sadd.s32 s22, s8;
	[sflag:s17] =	ssyncset.done $0x0  }
0x37: {  	s24 =	sadd.s32 $0x32000, s23;
	[sflag:s17] =	ssyncadd.s32 $0xFFFF9C00  }
0x38: {  	[tilespmem:s3], [sflag:$0x1] =	stream.linear.gather [hbm4b:s24+s3], $0x6400, $0x38;
	[tilespmem:$0xD000] =	vst v63  }
0x39: {  	s23 =	sadd.s32 $0x4B000, s23  }
0x3a: {  	[tilespmem:s10], [sflag:$0x2] =	stream.linear.gather [hbm4b:s23+s3], $0x6400, $0x38;
	[tilespmem:$0xD000] =	vst v63  }
0x3b: {  	_ =	swait.ge [sflag:s11], $0x6400  }
0x3c: {  	s23 =	sshrl.u32 s21, $0x3;
	[sflag:s11] =	ssyncset.done $0x0  }
.Ltmp0:
0x3d: {  	s23 =	sadd.s32 s23, s2;
	[sflag:s11] =	ssyncadd.s32 $0xFFFF9C00;
	(pc) =	sbr.rel @p1 .LBB2_2-.Ltmp0, $4  }
0x3e: {  	[hbm4b:s23+s3] =	stream.linear.scatter [tilespmem:s3], [sflag:$0x3], $0x6400, $0x38;
	[tilespmem:$0xD000] =	vst v63  }
0x3f: {  	_ =	swait.ge [sflag:s13], $0x6400  }
0x40: {  	[sflag:s13] =	ssyncset.done $0x0  }
0x41: {  	s22 =	sadd.s32 s22, s15;
	s21 =	sadd.s32 $0x190000, s21;
	[sflag:s13] =	ssyncadd.s32 $0xFFFF9C00  }
0x42: {  	[hbm4b:s22+s3] =	stream.linear.scatter [tilespmem:s10], [sflag:$0x4], $0x6400, $0x38;
	[tilespmem:$0xD000] =	vst v63  }
0x43: {  	_ =	swait.ge [sflag:s16], $0x6400  }
0x44: {  	[sflag:s16] =	ssyncset.done $0x0  }
0x45: {  	[sflag:s16] =	ssyncadd.s32 $0xFFFF9C00  }
0x46: {  	_ =	swait.ge [sflag:s17], $0x6400  }
0x47: {  	[sflag:s17] =	ssyncset.done $0x0  }
0x48: {  	s20 =	simm.s32 @!p0 $0x0;
	s21 =	simm.s32 @!p0 $0x5;
	[sflag:s17] =	ssyncadd.s32 $0xFFFF9C00  }
0x49: {  	[tilespmem:s20], [sflag:$0x5] =	stream.linear.gather @!p0 [hbm4b:s4+s20], $0x6400, $0x38;
	[tilespmem:$0xD000] =	vst v63  }
0x4a: {  	_ =	swait.ge @!p0 [sflag:s21], $0x6400  }
0x4b: {  	s19 =	sadd.s32 $0x1, s19;
	[sflag:s21] =	ssyncset.done @!p0 $0x0  }
0x4c: {  	p1 =	sne.s32 s19, s5;
	[sflag:s21] =	ssyncadd.s32 @!p0 $0xFFFF9C00  }
0x4d: {  	[hbm4b:s18+s20] =	stream.linear.scatter @!p0 [tilespmem:s20], [sflag:$0x5], $0x6400, $0x38;
	[tilespmem:$0xD000] =	vst v63  }
.Ltmp1:
0x4e: {  	_ =	swait.ge @!p0 [sflag:s21], $0x6400;
	(pc) =	sbr.rel @p1 .LBB2_1-.Ltmp1, $3  }
0x4f: {  	[sflag:s21] =	ssyncset.done @!p0 $0x0  }
0x50: {  	[sflag:s21] =	ssyncadd.s32 @!p0 $0xFFFF9C00  }
0x51: {  	[bflag:$0x0] =	sbarrier.arrive $0xFFFF;
	_ =	sdelay $0x1  }
0x52: {  	_ =	sfence.sel $0x180000  }
0x53: {  	[bflag:$0x0] =	sbarrier.arrive $0xFFFF  }
0x54: {  	p0 =	sne.s32 s1, $0x0;
	_ =	strace $0x90000047  }
0x55: {  	s0 =	sadd.s32 @!p0 $0x100000, s0;
	[bflag:$0x2] =	sbarrier.arrive $0xFFFF  }
0x56: {  	[sflag:s0] =	ssyncadd.tile.s32 @!p0 $0x1;
	_ =	shalt  }
.Lfunc_end2:
_tile_overlayer_lowered:
.L_overlay_start_2:
0x57: {  	(tag) =	ssettag $0x2  }
0x58: {  	s0 =	rddreg [dreg:$0x0];
	s2 =	stileid.u32  }
0x59: {  	s1 =	rddreg [dreg:$0x1];
	p0 =	sne.s32 s2, $0x0  }
0x5a: {  	s3 =	rddreg [dreg:$0x2];
	[bflag:$0x3] =	sbarrier.arrive $0xFFFF;
	s2 =	simm.s32 @!p0 $0x1C05  }
0x5b: {  	[timem:s3], [sflag:s2] =	dma.local @!p0 [hbm:s0], s1  }
0x5c: {  	s0 =	simm.s32 @!p0 $0x5  }
0x5d: {  	_ =	swait.ge @!p0 [sflag:s0], s1  }
0x5e: {  	s1 =	ssub.s32 @!p0 $0x0, s1;
	[sflag:s0] =	ssyncset.done @!p0 $0x0  }
0x5f: {  	[sflag:s0] =	ssyncadd.s32 @!p0 s1  }
0x60: {  	[bflag:$0x3] =	sbarrier.arrive $0xFFFF  }
0x61: {  	_ =	shalt  }

</sc_bundles>
